<compile_context>
chip_gen: v7x
topology: tpu7x:2x2x1
jax: 0.10.2.dev20260603
libtpu: 0.0.44.dev20260713+nightly
codegen_flags: <defaults>
</compile_context>

<pallas_src>
import functools
import math

import jax
import jax.numpy as jnp
from jax import lax
from jax.experimental import pallas as pl
from jax.experimental.pallas import tpu as pltpu
from jax.experimental.pallas import tpu_sc as plsc

_D = 64
_SCALE = math.sqrt(_D)
_LANES = 16
_CHUNK = 640


@functools.partial(jax.jit, static_argnums=(2,))
def _gather_scaled(xf, table, chunk):
    B = xf.shape[0]
    info = plsc.get_sparse_core_info()
    num_cores = info.num_cores
    nw = num_cores * info.num_subcores
    b_per_w = B // nw
    n_ch = b_per_w // chunk
    n_pair = n_ch // 2
    mesh = plsc.VectorSubcoreMesh(core_axis_name="c", subcore_axis_name="s")

    @functools.partial(
        pl.kernel,
        mesh=mesh,
        compiler_params=pltpu.CompilerParams(use_tc_tiling_on_sc=False),
        out_type=jax.ShapeDtypeStruct((B, _D), jnp.float32),
        scratch_types=[
            pltpu.VMEM((b_per_w,), jnp.int32),
            pltpu.VMEM((chunk, _D), jnp.float32),
            pltpu.VMEM((chunk, _D), jnp.float32),
            pltpu.SemaphoreType.DMA,
            pltpu.SemaphoreType.DMA,
            pltpu.SemaphoreType.DMA,
            pltpu.SemaphoreType.DMA,
        ],
    )
    def k(x_hbm, table_hbm, out_hbm, idx_v, r0, r1, gs0, gs1, ws0, ws1):
        wid = lax.axis_index("s") * num_cores + lax.axis_index("c")
        base = wid * b_per_w
        pltpu.sync_copy(x_hbm.at[pl.ds(base, b_per_w)], idx_v)

        def gather(c, rv, gs):
            return pltpu.make_async_copy(
                table_hbm.at[idx_v.at[pl.ds(c * chunk, chunk)]], rv, gs
            )

        def wback(c, rv, ws):
            return pltpu.make_async_copy(
                rv, out_hbm.at[pl.ds(base + c * chunk, chunk)], ws
            )

        def scale(rv):
            pass

        gather(0, r0, gs0).start()
        gather(1, r1, gs1).start()
        gather(0, r0, gs0).wait()
        scale(r0)
        wback(0, r0, ws0).start()
        gather(1, r1, gs1).wait()
        wback(0, r0, ws0).wait()
        gather(2, r0, gs0).start()
        scale(r1)
        wback(1, r1, ws1).start()

        def pair_body(i2, carry):
            a = i2 * 2
            gather(a, r0, gs0).wait()
            wback(a - 1, r1, ws1).wait()
            gather(a + 1, r1, gs1).start()
            scale(r0)
            wback(a, r0, ws0).start()
            gather(a + 1, r1, gs1).wait()
            wback(a, r0, ws0).wait()
            gather(a + 2, r0, gs0).start()
            scale(r1)
            wback(a + 1, r1, ws1).start()
            return carry

        lax.fori_loop(1, n_pair - 1, pair_body, 0)

        a = n_ch - 2
        gather(a, r0, gs0).wait()
        wback(a - 1, r1, ws1).wait()
        gather(a + 1, r1, gs1).start()
        scale(r0)
        wback(a, r0, ws0).start()
        gather(a + 1, r1, gs1).wait()
        wback(a, r0, ws0).wait()
        scale(r1)
        wback(a + 1, r1, ws1).start()
        wback(a + 1, r1, ws1).wait()

    return k(xf, table)


def kernel(x, table):
    B0, T = x.shape
    B = B0 * T
    xf = x.reshape(B).astype(jnp.int32)
    out = _gather_scaled(xf, table, _CHUNK)
    return out.reshape(B0, T, _D)

# --- scband reference (transcript-rebuilt; emitter-appended) ---
"""Pipeline reference for scband-token-embedding-11914239279171 (READ-ONLY COPY).

The authoritative reference and input builder live on the scoring server;
editing this copy changes nothing except your own understanding.
"""

import math
import jax, jax.numpy as jnp
import numpy as np

VOCAB = 1000000
D_MODEL = 64

def setup_inputs(seed: int = 0) -> dict:
    key = jax.random.key(seed)
    k1, k2 = jax.random.split(key)
    x = jax.random.randint(k1, (4096, 200), 0, VOCAB, dtype=jnp.int64 if jax.config.jax_enable_x64 else jnp.int32)
    table = jax.random.normal(k2, (VOCAB, D_MODEL), dtype=jnp.float32)
    return {"x": x, "table": table}

def reference(x, table):
    # TokenEmbedding.forward: embedding(x) * sqrt(d_model)
    emb = jnp.take(table, x, axis=0)
    return emb * math.sqrt(D_MODEL)

if __name__ == "__main__":
    import jax
    _d = setup_inputs()
    print(jax.jit(kernel)(*tuple(_d.values())))

</pallas_src>

<mosaic_0001>
#map = affine_map<(d0, d1) -> (0)>
#map1 = affine_map<(d0, d1) -> (0, 0)>
module attributes {stable_mosaic.version = 14 : i64} {
  func.func @k(%arg0: i32, %arg1: i32, %arg2: memref<819200xi32, #tpu.memory_space<hbm>>, %arg3: memref<1000000x64xf32, #tpu.memory_space<hbm>>, %arg4: memref<819200x64xf32, #tpu.memory_space<hbm>>, %arg5: memref<25600xi32, #tpu.memory_space<vmem>>, %arg6: memref<640x64xf32, #tpu.memory_space<vmem>>, %arg7: memref<640x64xf32, #tpu.memory_space<vmem>>, %arg8: memref<!tpu.dma_semaphore, #tpu.memory_space<semaphore_mem>>, %arg9: memref<!tpu.dma_semaphore, #tpu.memory_space<semaphore_mem>>, %arg10: memref<!tpu.dma_semaphore, #tpu.memory_space<semaphore_mem>>, %arg11: memref<!tpu.dma_semaphore, #tpu.memory_space<semaphore_mem>>) attributes {dimension_semantics = [#tpu.dimension_semantics<core_parallel>, #tpu.dimension_semantics<subcore_parallel>], iteration_bounds = array<i64: 2, 16>, scalar_prefetch = 0 : i64, scratch_operands = 7 : i64, tpu.core_type = #tpu.core_type<sc_vector_subcore>, window_params = [{transform_indices = #map}, {transform_indices = #map1}, {transform_indices = #map1}]} {
    %mul3A = arith.constant 2 : i32
    %mul3A_0 = arith.muli %arg1, %mul3A : i32
    %add3A = arith.addi %mul3A_0, %arg0 : i32
    %mul3A_1 = arith.constant 25600 : i32
    %mul3A_2 = arith.muli %add3A, %mul3A_1 : i32
    "tpu.region"() ({
      %run_scoped3A = tpu.sem_alloc : memref<!tpu.dma_semaphore, #tpu.memory_space<semaphore_mem>>
      %dma_start3A_94 = tpu.memref_slice %arg2[%mul3A_2] : memref<819200xi32, #tpu.memory_space<hbm>> -> memref<25600xi32, #tpu.memory_space<hbm>>
      %dma_start3A_95 = tpu.memref_slice %arg2[%mul3A_2] : memref<819200xi32, #tpu.memory_space<hbm>> -> memref<25600xi32, #tpu.memory_space<hbm>>
      tpu.enqueue_dma source(%dma_start3A_95 : memref<25600xi32, #tpu.memory_space<hbm>>) target(%arg5 : memref<25600xi32, #tpu.memory_space<vmem>>) target_semaphore(%run_scoped3A : memref<!tpu.dma_semaphore, #tpu.memory_space<semaphore_mem>>)
      %dma_wait3A_96 = tpu.memref_slice %arg2[%mul3A_2] : memref<819200xi32, #tpu.memory_space<hbm>> -> memref<25600xi32, #tpu.memory_space<hbm>>
      %dma_wait3A_97 = tpu.memref_slice %arg2[%mul3A_2] : memref<819200xi32, #tpu.memory_space<hbm>> -> memref<25600xi32, #tpu.memory_space<hbm>>
      tpu.wait_dma2 semaphore(%run_scoped3A : memref<!tpu.dma_semaphore, #tpu.memory_space<semaphore_mem>>) src(%dma_wait3A_97 : memref<25600xi32, #tpu.memory_space<hbm>>) dst(%arg5 : memref<25600xi32, #tpu.memory_space<vmem>>)
      tpu.yield
    }) : () -> ()
    %dma_start3A = arith.constant 0 : i32
    %dma_start3A_3 = tpu.memref_slice %arg5[%dma_start3A] : memref<25600xi32, #tpu.memory_space<vmem>> -> memref<640xi32, #tpu.memory_space<vmem>>
    %dma_start3A_4 = arith.constant 0 : i32
    %dma_start3A_5 = arith.constant 0 : i32
    %dma_start3A_6 = tpu.memref_slice %arg3[%dma_start3A_4, %dma_start3A_5] : memref<1000000x64xf32, #tpu.memory_space<hbm>> -> memref<1000000x64xf32, #tpu.memory_space<hbm>>
    tpu.enqueue_indirect_dma source(%dma_start3A_6 : memref<1000000x64xf32, #tpu.memory_space<hbm>>) target(%arg6 : memref<640x64xf32, #tpu.memory_space<vmem>>) offsets(%dma_start3A_3 : memref<640xi32, #tpu.memory_space<vmem>>) semaphore(%arg8 : memref<!tpu.dma_semaphore, #tpu.memory_space<semaphore_mem>>)
    %dma_start3A_7 = arith.constant 640 : i32
    %dma_start3A_8 = tpu.memref_slice %arg5[%dma_start3A_7] : memref<25600xi32, #tpu.memory_space<vmem>> -> memref<640xi32, #tpu.memory_space<vmem>>
    %dma_start3A_9 = arith.constant 0 : i32
    %dma_start3A_10 = arith.constant 0 : i32
    %dma_start3A_11 = tpu.memref_slice %arg3[%dma_start3A_9, %dma_start3A_10] : memref<1000000x64xf32, #tpu.memory_space<hbm>> -> memref<1000000x64xf32, #tpu.memory_space<hbm>>
    tpu.enqueue_indirect_dma source(%dma_start3A_11 : memref<1000000x64xf32, #tpu.memory_space<hbm>>) target(%arg7 : memref<640x64xf32, #tpu.memory_space<vmem>>) offsets(%dma_start3A_8 : memref<640xi32, #tpu.memory_space<vmem>>) semaphore(%arg9 : memref<!tpu.dma_semaphore, #tpu.memory_space<semaphore_mem>>)
    %dma_wait3A = arith.constant 0 : i32
    %dma_wait3A_12 = tpu.memref_slice %arg5[%dma_wait3A] : memref<25600xi32, #tpu.memory_space<vmem>> -> memref<640xi32, #tpu.memory_space<vmem>>
    %dma_wait3A_13 = arith.constant 0 : i32
    %dma_wait3A_14 = arith.constant 0 : i32
    %dma_wait3A_15 = tpu.memref_slice %arg3[%dma_wait3A_13, %dma_wait3A_14] : memref<1000000x64xf32, #tpu.memory_space<hbm>> -> memref<1000000x64xf32, #tpu.memory_space<hbm>>
    tpu.wait_indirect_dma semaphore(%arg8 : memref<!tpu.dma_semaphore, #tpu.memory_space<semaphore_mem>>) src(%dma_wait3A_15 : memref<1000000x64xf32, #tpu.memory_space<hbm>>) dst(%arg6 : memref<640x64xf32, #tpu.memory_space<vmem>>)
    %add3A_16 = arith.constant 0 : i32
    %add3A_17 = arith.addi %mul3A_2, %add3A_16 : i32
    %dma_start3A_18 = arith.constant 0 : i32
    %dma_start3A_19 = tpu.memref_slice %arg4[%add3A_17, %dma_start3A_18] : memref<819200x64xf32, #tpu.memory_space<hbm>> -> memref<640x64xf32, #tpu.memory_space<hbm>>
    %dma_start3A_20 = arith.constant 0 : i32
    %dma_start3A_21 = tpu.memref_slice %arg4[%add3A_17, %dma_start3A_20] : memref<819200x64xf32, #tpu.memory_space<hbm>> -> memref<640x64xf32, #tpu.memory_space<hbm>>
    tpu.enqueue_dma source(%arg6 : memref<640x64xf32, #tpu.memory_space<vmem>>) target(%dma_start3A_21 : memref<640x64xf32, #tpu.memory_space<hbm>>) target_semaphore(%arg10 : memref<!tpu.dma_semaphore, #tpu.memory_space<semaphore_mem>>)
    %dma_wait3A_22 = arith.constant 640 : i32
    %dma_wait3A_23 = tpu.memref_slice %arg5[%dma_wait3A_22] : memref<25600xi32, #tpu.memory_space<vmem>> -> memref<640xi32, #tpu.memory_space<vmem>>
    %dma_wait3A_24 = arith.constant 0 : i32
    %dma_wait3A_25 = arith.constant 0 : i32
    %dma_wait3A_26 = tpu.memref_slice %arg3[%dma_wait3A_24, %dma_wait3A_25] : memref<1000000x64xf32, #tpu.memory_space<hbm>> -> memref<1000000x64xf32, #tpu.memory_space<hbm>>
    tpu.wait_indirect_dma semaphore(%arg9 : memref<!tpu.dma_semaphore, #tpu.memory_space<semaphore_mem>>) src(%dma_wait3A_26 : memref<1000000x64xf32, #tpu.memory_space<hbm>>) dst(%arg7 : memref<640x64xf32, #tpu.memory_space<vmem>>)
    %add3A_27 = arith.constant 0 : i32
    %add3A_28 = arith.addi %mul3A_2, %add3A_27 : i32
    %dma_wait3A_29 = arith.constant 0 : i32
    %dma_wait3A_30 = tpu.memref_slice %arg4[%add3A_28, %dma_wait3A_29] : memref<819200x64xf32, #tpu.memory_space<hbm>> -> memref<640x64xf32, #tpu.memory_space<hbm>>
    %dma_wait3A_31 = arith.constant 0 : i32
    %dma_wait3A_32 = tpu.memref_slice %arg4[%add3A_28, %dma_wait3A_31] : memref<819200x64xf32, #tpu.memory_space<hbm>> -> memref<640x64xf32, #tpu.memory_space<hbm>>
    tpu.wait_dma2 semaphore(%arg10 : memref<!tpu.dma_semaphore, #tpu.memory_space<semaphore_mem>>) src(%arg6 : memref<640x64xf32, #tpu.memory_space<vmem>>) dst(%dma_wait3A_32 : memref<640x64xf32, #tpu.memory_space<hbm>>)
    %dma_start3A_33 = arith.constant 1280 : i32
    %dma_start3A_34 = tpu.memref_slice %arg5[%dma_start3A_33] : memref<25600xi32, #tpu.memory_space<vmem>> -> memref<640xi32, #tpu.memory_space<vmem>>
    %dma_start3A_35 = arith.constant 0 : i32
    %dma_start3A_36 = arith.constant 0 : i32
    %dma_start3A_37 = tpu.memref_slice %arg3[%dma_start3A_35, %dma_start3A_36] : memref<1000000x64xf32, #tpu.memory_space<hbm>> -> memref<1000000x64xf32, #tpu.memory_space<hbm>>
    tpu.enqueue_indirect_dma source(%dma_start3A_37 : memref<1000000x64xf32, #tpu.memory_space<hbm>>) target(%arg6 : memref<640x64xf32, #tpu.memory_space<vmem>>) offsets(%dma_start3A_34 : memref<640xi32, #tpu.memory_space<vmem>>) semaphore(%arg8 : memref<!tpu.dma_semaphore, #tpu.memory_space<semaphore_mem>>)
    %add3A_38 = arith.constant 640 : i32
    %add3A_39 = arith.addi %mul3A_2, %add3A_38 : i32
    %dma_start3A_40 = arith.constant 0 : i32
    %dma_start3A_41 = tpu.memref_slice %arg4[%add3A_39, %dma_start3A_40] : memref<819200x64xf32, #tpu.memory_space<hbm>> -> memref<640x64xf32, #tpu.memory_space<hbm>>
    %dma_start3A_42 = arith.constant 0 : i32
    %dma_start3A_43 = tpu.memref_slice %arg4[%add3A_39, %dma_start3A_42] : memref<819200x64xf32, #tpu.memory_space<hbm>> -> memref<640x64xf32, #tpu.memory_space<hbm>>
    tpu.enqueue_dma source(%arg7 : memref<640x64xf32, #tpu.memory_space<vmem>>) target(%dma_start3A_43 : memref<640x64xf32, #tpu.memory_space<hbm>>) target_semaphore(%arg11 : memref<!tpu.dma_semaphore, #tpu.memory_space<semaphore_mem>>)
    %scan3A = arith.constant 0 : i32
    %scan3A_44 = arith.constant 1 : i32
    %scan3A_45 = arith.constant 18 : i32
    %scan3A_46 = arith.addi %scan3A_44, %scan3A_45 : i32
    %scan3A_47 = arith.constant 1 : i32
    scf.for %scan3A_94 = %scan3A_44 to %scan3A_46 step %scan3A_47  : i32 {
      %mul3A_95 = arith.constant 2 : i32
      %mul3A_96 = arith.muli %scan3A_94, %mul3A_95 : i32
      %mul3A_97 = arith.constant 640 : i32
      %mul3A_98 = arith.muli %mul3A_96, %mul3A_97 : i32
      %dma_wait3A_99 = tpu.memref_slice %arg5[%mul3A_98] : memref<25600xi32, #tpu.memory_space<vmem>> -> memref<640xi32, #tpu.memory_space<vmem>>
      %dma_wait3A_100 = arith.constant 0 : i32
      %dma_wait3A_101 = arith.constant 0 : i32
      %dma_wait3A_102 = tpu.memref_slice %arg3[%dma_wait3A_100, %dma_wait3A_101] : memref<1000000x64xf32, #tpu.memory_space<hbm>> -> memref<1000000x64xf32, #tpu.memory_space<hbm>>
      tpu.wait_indirect_dma semaphore(%arg8 : memref<!tpu.dma_semaphore, #tpu.memory_space<semaphore_mem>>) src(%dma_wait3A_102 : memref<1000000x64xf32, #tpu.memory_space<hbm>>) dst(%arg6 : memref<640x64xf32, #tpu.memory_space<vmem>>)
      %sub3A = arith.constant 1 : i32
      %sub3A_103 = arith.subi %mul3A_96, %sub3A : i32
      %mul3A_104 = arith.constant 640 : i32
      %mul3A_105 = arith.muli %sub3A_103, %mul3A_104 : i32
      %add3A_106 = arith.addi %mul3A_2, %mul3A_105 : i32
      %dma_wait3A_107 = arith.constant 0 : i32
      %dma_wait3A_108 = tpu.memref_slice %arg4[%add3A_106, %dma_wait3A_107] : memref<819200x64xf32, #tpu.memory_space<hbm>> -> memref<640x64xf32, #tpu.memory_space<hbm>>
      %dma_wait3A_109 = arith.constant 0 : i32
      %dma_wait3A_110 = tpu.memref_slice %arg4[%add3A_106, %dma_wait3A_109] : memref<819200x64xf32, #tpu.memory_space<hbm>> -> memref<640x64xf32, #tpu.memory_space<hbm>>
      tpu.wait_dma2 semaphore(%arg11 : memref<!tpu.dma_semaphore, #tpu.memory_space<semaphore_mem>>) src(%arg7 : memref<640x64xf32, #tpu.memory_space<vmem>>) dst(%dma_wait3A_110 : memref<640x64xf32, #tpu.memory_space<hbm>>)
      %add3A_111 = arith.constant 1 : i32
      %add3A_112 = arith.addi %mul3A_96, %add3A_111 : i32
      %mul3A_113 = arith.constant 640 : i32
      %mul3A_114 = arith.muli %add3A_112, %mul3A_113 : i32
      %dma_start3A_115 = tpu.memref_slice %arg5[%mul3A_114] : memref<25600xi32, #tpu.memory_space<vmem>> -> memref<640xi32, #tpu.memory_space<vmem>>
      %dma_start3A_116 = arith.constant 0 : i32
      %dma_start3A_117 = arith.constant 0 : i32
      %dma_start3A_118 = tpu.memref_slice %arg3[%dma_start3A_116, %dma_start3A_117] : memref<1000000x64xf32, #tpu.memory_space<hbm>> -> memref<1000000x64xf32, #tpu.memory_space<hbm>>
      tpu.enqueue_indirect_dma source(%dma_start3A_118 : memref<1000000x64xf32, #tpu.memory_space<hbm>>) target(%arg7 : memref<640x64xf32, #tpu.memory_space<vmem>>) offsets(%dma_start3A_115 : memref<640xi32, #tpu.memory_space<vmem>>) semaphore(%arg9 : memref<!tpu.dma_semaphore, #tpu.memory_space<semaphore_mem>>)
      %mul3A_119 = arith.constant 640 : i32
      %mul3A_120 = arith.muli %mul3A_96, %mul3A_119 : i32
      %add3A_121 = arith.addi %mul3A_2, %mul3A_120 : i32
      %dma_start3A_122 = arith.constant 0 : i32
      %dma_start3A_123 = tpu.memref_slice %arg4[%add3A_121, %dma_start3A_122] : memref<819200x64xf32, #tpu.memory_space<hbm>> -> memref<640x64xf32, #tpu.memory_space<hbm>>
      %dma_start3A_124 = arith.constant 0 : i32
      %dma_start3A_125 = tpu.memref_slice %arg4[%add3A_121, %dma_start3A_124] : memref<819200x64xf32, #tpu.memory_space<hbm>> -> memref<640x64xf32, #tpu.memory_space<hbm>>
      tpu.enqueue_dma source(%arg6 : memref<640x64xf32, #tpu.memory_space<vmem>>) target(%dma_start3A_125 : memref<640x64xf32, #tpu.memory_space<hbm>>) target_semaphore(%arg10 : memref<!tpu.dma_semaphore, #tpu.memory_space<semaphore_mem>>)
      %add3A_126 = arith.constant 1 : i32
      %add3A_127 = arith.addi %mul3A_96, %add3A_126 : i32
      %mul3A_128 = arith.constant 640 : i32
      %mul3A_129 = arith.muli %add3A_127, %mul3A_128 : i32
      %dma_wait3A_130 = tpu.memref_slice %arg5[%mul3A_129] : memref<25600xi32, #tpu.memory_space<vmem>> -> memref<640xi32, #tpu.memory_space<vmem>>
      %dma_wait3A_131 = arith.constant 0 : i32
      %dma_wait3A_132 = arith.constant 0 : i32
      %dma_wait3A_133 = tpu.memref_slice %arg3[%dma_wait3A_131, %dma_wait3A_132] : memref<1000000x64xf32, #tpu.memory_space<hbm>> -> memref<1000000x64xf32, #tpu.memory_space<hbm>>
      tpu.wait_indirect_dma semaphore(%arg9 : memref<!tpu.dma_semaphore, #tpu.memory_space<semaphore_mem>>) src(%dma_wait3A_133 : memref<1000000x64xf32, #tpu.memory_space<hbm>>) dst(%arg7 : memref<640x64xf32, #tpu.memory_space<vmem>>)
      %mul3A_134 = arith.constant 640 : i32
      %mul3A_135 = arith.muli %mul3A_96, %mul3A_134 : i32
      %add3A_136 = arith.addi %mul3A_2, %mul3A_135 : i32
      %dma_wait3A_137 = arith.constant 0 : i32
      %dma_wait3A_138 = tpu.memref_slice %arg4[%add3A_136, %dma_wait3A_137] : memref<819200x64xf32, #tpu.memory_space<hbm>> -> memref<640x64xf32, #tpu.memory_space<hbm>>
      %dma_wait3A_139 = arith.constant 0 : i32
      %dma_wait3A_140 = tpu.memref_slice %arg4[%add3A_136, %dma_wait3A_139] : memref<819200x64xf32, #tpu.memory_space<hbm>> -> memref<640x64xf32, #tpu.memory_space<hbm>>
      tpu.wait_dma2 semaphore(%arg10 : memref<!tpu.dma_semaphore, #tpu.memory_space<semaphore_mem>>) src(%arg6 : memref<640x64xf32, #tpu.memory_space<vmem>>) dst(%dma_wait3A_140 : memref<640x64xf32, #tpu.memory_space<hbm>>)
      %add3A_141 = arith.constant 2 : i32
      %add3A_142 = arith.addi %mul3A_96, %add3A_141 : i32
      %mul3A_143 = arith.constant 640 : i32
      %mul3A_144 = arith.muli %add3A_142, %mul3A_143 : i32
      %dma_start3A_145 = tpu.memref_slice %arg5[%mul3A_144] : memref<25600xi32, #tpu.memory_space<vmem>> -> memref<640xi32, #tpu.memory_space<vmem>>
      %dma_start3A_146 = arith.constant 0 : i32
      %dma_start3A_147 = arith.constant 0 : i32
      %dma_start3A_148 = tpu.memref_slice %arg3[%dma_start3A_146, %dma_start3A_147] : memref<1000000x64xf32, #tpu.memory_space<hbm>> -> memref<1000000x64xf32, #tpu.memory_space<hbm>>
      tpu.enqueue_indirect_dma source(%dma_start3A_148 : memref<1000000x64xf32, #tpu.memory_space<hbm>>) target(%arg6 : memref<640x64xf32, #tpu.memory_space<vmem>>) offsets(%dma_start3A_145 : memref<640xi32, #tpu.memory_space<vmem>>) semaphore(%arg8 : memref<!tpu.dma_semaphore, #tpu.memory_space<semaphore_mem>>)
      %add3A_149 = arith.constant 1 : i32
      %add3A_150 = arith.addi %mul3A_96, %add3A_149 : i32
      %mul3A_151 = arith.constant 640 : i32
      %mul3A_152 = arith.muli %add3A_150, %mul3A_151 : i32
      %add3A_153 = arith.addi %mul3A_2, %mul3A_152 : i32
      %dma_start3A_154 = arith.constant 0 : i32
      %dma_start3A_155 = tpu.memref_slice %arg4[%add3A_153, %dma_start3A_154] : memref<819200x64xf32, #tpu.memory_space<hbm>> -> memref<640x64xf32, #tpu.memory_space<hbm>>
      %dma_start3A_156 = arith.constant 0 : i32
      %dma_start3A_157 = tpu.memref_slice %arg4[%add3A_153, %dma_start3A_156] : memref<819200x64xf32, #tpu.memory_space<hbm>> -> memref<640x64xf32, #tpu.memory_space<hbm>>
      tpu.enqueue_dma source(%arg7 : memref<640x64xf32, #tpu.memory_space<vmem>>) target(%dma_start3A_157 : memref<640x64xf32, #tpu.memory_space<hbm>>) target_semaphore(%arg11 : memref<!tpu.dma_semaphore, #tpu.memory_space<semaphore_mem>>)
    }
    %scan3A_48 = arith.constant 18 : i32
    %dma_wait3A_49 = arith.constant 24320 : i32
    %dma_wait3A_50 = tpu.memref_slice %arg5[%dma_wait3A_49] : memref<25600xi32, #tpu.memory_space<vmem>> -> memref<640xi32, #tpu.memory_space<vmem>>
    %dma_wait3A_51 = arith.constant 0 : i32
    %dma_wait3A_52 = arith.constant 0 : i32
    %dma_wait3A_53 = tpu.memref_slice %arg3[%dma_wait3A_51, %dma_wait3A_52] : memref<1000000x64xf32, #tpu.memory_space<hbm>> -> memref<1000000x64xf32, #tpu.memory_space<hbm>>
    tpu.wait_indirect_dma semaphore(%arg8 : memref<!tpu.dma_semaphore, #tpu.memory_space<semaphore_mem>>) src(%dma_wait3A_53 : memref<1000000x64xf32, #tpu.memory_space<hbm>>) dst(%arg6 : memref<640x64xf32, #tpu.memory_space<vmem>>)
    %add3A_54 = arith.constant 23680 : i32
    %add3A_55 = arith.addi %mul3A_2, %add3A_54 : i32
    %dma_wait3A_56 = arith.constant 0 : i32
    %dma_wait3A_57 = tpu.memref_slice %arg4[%add3A_55, %dma_wait3A_56] : memref<819200x64xf32, #tpu.memory_space<hbm>> -> memref<640x64xf32, #tpu.memory_space<hbm>>
    %dma_wait3A_58 = arith.constant 0 : i32
    %dma_wait3A_59 = tpu.memref_slice %arg4[%add3A_55, %dma_wait3A_58] : memref<819200x64xf32, #tpu.memory_space<hbm>> -> memref<640x64xf32, #tpu.memory_space<hbm>>
    tpu.wait_dma2 semaphore(%arg11 : memref<!tpu.dma_semaphore, #tpu.memory_space<semaphore_mem>>) src(%arg7 : memref<640x64xf32, #tpu.memory_space<vmem>>) dst(%dma_wait3A_59 : memref<640x64xf32, #tpu.memory_space<hbm>>)
    %dma_start3A_60 = arith.constant 24960 : i32
    %dma_start3A_61 = tpu.memref_slice %arg5[%dma_start3A_60] : memref<25600xi32, #tpu.memory_space<vmem>> -> memref<640xi32, #tpu.memory_space<vmem>>
    %dma_start3A_62 = arith.constant 0 : i32
    %dma_start3A_63 = arith.constant 0 : i32
    %dma_start3A_64 = tpu.memref_slice %arg3[%dma_start3A_62, %dma_start3A_63] : memref<1000000x64xf32, #tpu.memory_space<hbm>> -> memref<1000000x64xf32, #tpu.memory_space<hbm>>
    tpu.enqueue_indirect_dma source(%dma_start3A_64 : memref<1000000x64xf32, #tpu.memory_space<hbm>>) target(%arg7 : memref<640x64xf32, #tpu.memory_space<vmem>>) offsets(%dma_start3A_61 : memref<640xi32, #tpu.memory_space<vmem>>) semaphore(%arg9 : memref<!tpu.dma_semaphore, #tpu.memory_space<semaphore_mem>>)
    %add3A_65 = arith.constant 24320 : i32
    %add3A_66 = arith.addi %mul3A_2, %add3A_65 : i32
    %dma_start3A_67 = arith.constant 0 : i32
    %dma_start3A_68 = tpu.memref_slice %arg4[%add3A_66, %dma_start3A_67] : memref<819200x64xf32, #tpu.memory_space<hbm>> -> memref<640x64xf32, #tpu.memory_space<hbm>>
    %dma_start3A_69 = arith.constant 0 : i32
    %dma_start3A_70 = tpu.memref_slice %arg4[%add3A_66, %dma_start3A_69] : memref<819200x64xf32, #tpu.memory_space<hbm>> -> memref<640x64xf32, #tpu.memory_space<hbm>>
    tpu.enqueue_dma source(%arg6 : memref<640x64xf32, #tpu.memory_space<vmem>>) target(%dma_start3A_70 : memref<640x64xf32, #tpu.memory_space<hbm>>) target_semaphore(%arg10 : memref<!tpu.dma_semaphore, #tpu.memory_space<semaphore_mem>>)
    %dma_wait3A_71 = arith.constant 24960 : i32
    %dma_wait3A_72 = tpu.memref_slice %arg5[%dma_wait3A_71] : memref<25600xi32, #tpu.memory_space<vmem>> -> memref<640xi32, #tpu.memory_space<vmem>>
    %dma_wait3A_73 = arith.constant 0 : i32
    %dma_wait3A_74 = arith.constant 0 : i32
    %dma_wait3A_75 = tpu.memref_slice %arg3[%dma_wait3A_73, %dma_wait3A_74] : memref<1000000x64xf32, #tpu.memory_space<hbm>> -> memref<1000000x64xf32, #tpu.memory_space<hbm>>
    tpu.wait_indirect_dma semaphore(%arg9 : memref<!tpu.dma_semaphore, #tpu.memory_space<semaphore_mem>>) src(%dma_wait3A_75 : memref<1000000x64xf32, #tpu.memory_space<hbm>>) dst(%arg7 : memref<640x64xf32, #tpu.memory_space<vmem>>)
    %add3A_76 = arith.constant 24320 : i32
    %add3A_77 = arith.addi %mul3A_2, %add3A_76 : i32
    %dma_wait3A_78 = arith.constant 0 : i32
    %dma_wait3A_79 = tpu.memref_slice %arg4[%add3A_77, %dma_wait3A_78] : memref<819200x64xf32, #tpu.memory_space<hbm>> -> memref<640x64xf32, #tpu.memory_space<hbm>>
    %dma_wait3A_80 = arith.constant 0 : i32
    %dma_wait3A_81 = tpu.memref_slice %arg4[%add3A_77, %dma_wait3A_80] : memref<819200x64xf32, #tpu.memory_space<hbm>> -> memref<640x64xf32, #tpu.memory_space<hbm>>
    tpu.wait_dma2 semaphore(%arg10 : memref<!tpu.dma_semaphore, #tpu.memory_space<semaphore_mem>>) src(%arg6 : memref<640x64xf32, #tpu.memory_space<vmem>>) dst(%dma_wait3A_81 : memref<640x64xf32, #tpu.memory_space<hbm>>)
    %add3A_82 = arith.constant 24960 : i32
    %add3A_83 = arith.addi %mul3A_2, %add3A_82 : i32
    %dma_start3A_84 = arith.constant 0 : i32
    %dma_start3A_85 = tpu.memref_slice %arg4[%add3A_83, %dma_start3A_84] : memref<819200x64xf32, #tpu.memory_space<hbm>> -> memref<640x64xf32, #tpu.memory_space<hbm>>
    %dma_start3A_86 = arith.constant 0 : i32
    %dma_start3A_87 = tpu.memref_slice %arg4[%add3A_83, %dma_start3A_86] : memref<819200x64xf32, #tpu.memory_space<hbm>> -> memref<640x64xf32, #tpu.memory_space<hbm>>
    tpu.enqueue_dma source(%arg7 : memref<640x64xf32, #tpu.memory_space<vmem>>) target(%dma_start3A_87 : memref<640x64xf32, #tpu.memory_space<hbm>>) target_semaphore(%arg11 : memref<!tpu.dma_semaphore, #tpu.memory_space<semaphore_mem>>)
    %add3A_88 = arith.constant 24960 : i32
    %add3A_89 = arith.addi %mul3A_2, %add3A_88 : i32
    %dma_wait3A_90 = arith.constant 0 : i32
    %dma_wait3A_91 = tpu.memref_slice %arg4[%add3A_89, %dma_wait3A_90] : memref<819200x64xf32, #tpu.memory_space<hbm>> -> memref<640x64xf32, #tpu.memory_space<hbm>>
    %dma_wait3A_92 = arith.constant 0 : i32
    %dma_wait3A_93 = tpu.memref_slice %arg4[%add3A_89, %dma_wait3A_92] : memref<819200x64xf32, #tpu.memory_space<hbm>> -> memref<640x64xf32, #tpu.memory_space<hbm>>
    tpu.wait_dma2 semaphore(%arg11 : memref<!tpu.dma_semaphore, #tpu.memory_space<semaphore_mem>>) src(%arg7 : memref<640x64xf32, #tpu.memory_space<vmem>>) dst(%dma_wait3A_93 : memref<640x64xf32, #tpu.memory_space<hbm>>)
    return
  }
}

</mosaic_0001>

<sc_bundles>
// kernel: _gather_scaled.3.cloned.1.call-start
scs
__scs_entry_jumppad:
0x0: {  	(pc) =	sbr.rel $0x88, $3  }
0x1: {  	(tag) =	ssettag $0x0;
	lr =	simm.s32 $0x1  }
0x2: {  	[smem:$0x3F9F] =	sst lr;
	_ =	strace $0xD0000000  }
0x3: {  	_ = 	snop  }
0x4: {  	_ = 	snop  }
0x5: {  	_ = 	snop  }
0x6: {  	_ = 	snop  }
0x7: {  	_ = 	snop  }
__scs_overlays_trampoline_lowered:
0x8: {  	[smem:$0x3FAE] =	sst s0  }
0x9: {  	[smem:$0x3FAF] =	sst s1  }
0xa: {  	[smem:$0x3FB0] =	sst s2  }
0xb: {  	[smem:$0x3FB1] =	sst s3  }
0xc: {  	[smem:$0x3FB2] =	sst s4  }
0xd: {  	[smem:$0x3FB3] =	sst s5  }
0xe: {  	[smem:$0x3FB4] =	sst s6  }
0xf: {  	[smem:$0x3FB5] =	sst s7  }
0x10: {  	[smem:$0x3FB6] =	sst s8  }
0x11: {  	[smem:$0x3FB7] =	sst s9;
	s0 =	simm.s32 @!p0 $0x0  }
0x12: {  	s1 =	sld [smem:$0x3F9D];
	s0 =	simm.s32 @p0 $0x1  }
0x13: {  	[smem:$0x3FB8] =	sst s0;
	s0 =	simm.s32 @!p1 $0x0  }
0x14: {  	s2 =	sld [smem:$0x3F9C];
	s0 =	simm.s32 @p1 $0x1  }
0x15: {  	[smem:$0x3FB9] =	sst s0;
	s0 =	simm.s32 @!p2 $0x0  }
0x16: {  	s3 =	sld [smem:$0x3FDB];
	s0 =	simm.s32 @p2 $0x1  }
0x17: {  	s4 =	simm.s32 $0x1BF5;
	[smem:$0x3FBB] =	sst s0  }
0x18: {  	s0 =	sld [smem:$0x3F9E];
	_ =	swait.ge [sflag:s4], $0x0  }
0x19: {  	s7 =	sld [smem:$0x3F9F]  }
0x1a: {  	s8 =	sadd.s32 $0xFFFFE003, lr  }
0x1b: {  	s9 =	sadd.s32 $0xFFFFFEF7, lr;
	s5 =	simm.s32 $0xFFFFFFFF;
	p2 =	slt.u32 s8, $0xFFFFF086  }
0x1c: {  	p1 =	slt.u32 s9, $0xF7A;
	s5 =	simm.s32 @!p2 $0x0  }
0x1d: {  	s5 =	simm.s32 @p1 $0x1;
	p0 =	seq.s32 s7, s2  }
0x1e: {  	s7 =	smul.u32 @!p0 $0xF7A, s2;
	p2 =	seq.s32 @!p0 s5, $0x0  }
0x1f: {  	s9 =	smul.u32 $0xF7A, s1;
	s8 =	simm.s32 @!p0 $0x1BF5;
	p2 =	por !p2, p0  }
0x20: {  	[sflag:s8] =	ssyncset.s32 @!p0 $0xFFFFF086;
	s6 =	sadd.s32 @!p0 s3, s7;
	s7 =	simm.s32 @!p0 $0x108  }
0x21: {  	s3 =	sadd.s32 s3, s9;
	s6 =	sadd.s32 @!p0 $0x88, s6;
	s7 =	simm.s32 @p2 $0x1082  }
0x22: {  	[simem:s7], [sflag:s8] =	dma.local @!p0 [hbm:s6], $0xF7A  }
0x23: {  	s9 =	sor.u32 $0xD0000000, s2;
	s6 =	simm.s32 $0x108;
	_ =	swait.ge @!p0 [sflag:s8], $0x0  }
0x24: {  	s3 =	sadd.s32 $0x88, s3;
	s6 =	simm.s32 @!p1 $0x1082;
	[sflag:s4] =	ssyncset.s32 $0xFFFFF086  }
0x25: {  	[simem:s6], [sflag:s4] =	dma.local [hbm:s3], $0xF7A  }
0x26: {  	[smem:$0x3F9F] =	sst s1;
	(tag) =	ssettag s2;
	_ =	strace s9  }
0x27: {  	s1 =	sld [smem:$0x3FAF]  }
0x28: {  	s2 =	sld [smem:$0x3FB0]  }
0x29: {  	s4 =	sld [smem:$0x3FB2]  }
0x2a: {  	p0 =	seq.s32 s5, $0x0;
	s5 =	sld [smem:$0x3FB3]  }
0x2b: {  	s6 =	sld [smem:$0x3FB4]  }
0x2c: {  	s7 =	sld [smem:$0x3FB5]  }
0x2d: {  	s3 =	simm.s32 $0x108;
	s8 =	sld [smem:$0x3FB6]  }
0x2e: {  	s3 =	simm.s32 @!p0 $0x1082;
	s9 =	sld [smem:$0x3FB7]  }
0x2f: {  	lr =	sadd.s32 s0, s3;
	s0 =	sld [smem:$0x3FAE]  }
0x30: {  	s3 =	sld [smem:$0x3FB1]  }
0x31: {  	[smem:$0x3FBA] =	sst s10  }
0x32: {  	s10 =	sld [smem:$0x3FB8];
	_ =	sdelay $0x3  }
0x33: {  	p0 =	seq.s32 s10, $0x1;
	s10 =	sld [smem:$0x3FBA];
	_ =	sdelay $0x3  }
0x34: {  	[smem:$0x3FBA] =	sst s10  }
0x35: {  	s10 =	sld [smem:$0x3FB9];
	_ =	sdelay $0x3  }
0x36: {  	p1 =	seq.s32 s10, $0x1;
	s10 =	sld [smem:$0x3FBA];
	_ =	sdelay $0x3  }
0x37: {  	[smem:$0x3FBA] =	sst s10  }
0x38: {  	s10 =	sld [smem:$0x3FBB]  }
0x39: {  	_ = 	snop;
	(pc) =	sbr.ind lr, $3  }
0x3a: {  	_ = 	snop  }
0x3b: {  	_ = 	snop  }
0x3c: {  	p2 =	seq.s32 s10, $0x1;
	s10 =	sld [smem:$0x3FBA]  }
0x3d: {  	_ =	shalt  }
0x3e: {  	_ =	shalt  }
0x3f: {  	_ =	shalt  }
0x40: {  	_ =	shalt  }
0x41: {  	_ =	shalt  }
0x42: {  	_ =	shalt  }
0x43: {  	_ =	shalt  }
0x44: {  	_ =	shalt  }
0x45: {  	_ =	shalt  }
0x46: {  	_ =	shalt  }
0x47: {  	_ =	shalt  }
0x48: {  	_ =	shalt  }
0x49: {  	_ =	shalt  }
0x4a: {  	_ =	shalt  }
0x4b: {  	_ =	shalt  }
0x4c: {  	_ =	shalt  }
0x4d: {  	_ =	shalt  }
0x4e: {  	_ =	shalt  }
0x4f: {  	_ =	shalt  }
0x50: {  	_ =	shalt  }
0x51: {  	_ =	shalt  }
0x52: {  	_ =	shalt  }
0x53: {  	_ =	shalt  }
0x54: {  	_ =	shalt  }
0x55: {  	_ =	shalt  }
0x56: {  	_ =	shalt  }
0x57: {  	_ =	shalt  }
0x58: {  	_ =	shalt  }
0x59: {  	_ =	shalt  }
0x5a: {  	_ =	shalt  }
0x5b: {  	_ =	shalt  }
0x5c: {  	_ =	shalt  }
0x5d: {  	_ =	shalt  }
0x5e: {  	_ =	shalt  }
0x5f: {  	_ =	shalt  }
0x60: {  	_ =	shalt  }
0x61: {  	_ =	shalt  }
0x62: {  	_ =	shalt  }
0x63: {  	_ =	shalt  }
0x64: {  	_ =	shalt  }
0x65: {  	_ =	shalt  }
0x66: {  	_ =	shalt  }
0x67: {  	_ =	shalt  }
0x68: {  	_ =	shalt  }
0x69: {  	_ =	shalt  }
0x6a: {  	_ =	shalt  }
0x6b: {  	_ =	shalt  }
0x6c: {  	_ =	shalt  }
0x6d: {  	_ =	shalt  }
0x6e: {  	_ =	shalt  }
0x6f: {  	_ =	shalt  }
0x70: {  	_ =	shalt  }
0x71: {  	_ =	shalt  }
0x72: {  	_ =	shalt  }
0x73: {  	_ =	shalt  }
0x74: {  	_ =	shalt  }
0x75: {  	_ =	shalt  }
0x76: {  	_ =	shalt  }
0x77: {  	_ =	shalt  }
0x78: {  	_ =	shalt  }
0x79: {  	_ =	shalt  }
0x7a: {  	_ =	shalt  }
0x7b: {  	_ =	shalt  }
0x7c: {  	_ =	shalt  }
0x7d: {  	_ =	shalt  }
0x7e: {  	_ =	shalt  }
0x7f: {  	_ =	shalt  }
0x80: {  	_ =	shalt  }
0x81: {  	_ =	shalt  }
0x82: {  	_ =	shalt  }
0x83: {  	_ =	shalt  }
0x84: {  	_ =	shalt  }
0x85: {  	_ =	shalt  }
0x86: {  	_ =	shalt  }
0x87: {  	_ =	shalt  }
.Lfunc_end0:
.L_simem_size_0:
called_computation.1_lowered:
.L_overlay_start_0:
0x88: {  	s2 =	sld [smem:$0x3FD9]  }
0x89: {  	s3 =	sld [smem:$0x3FFE];
	_ =	sdelay $0x1  }
0x8a: {  	s1 =	srdreg.scid  }
0x8b: {  	s0 =	sand.u32 $0x1, s1  }
0x8c: {  	s17 =	sshll.u32 s0, $0xA;
	s2 =	sadd.s32 s3, s2  }
0x8d: {  	s2 =	sadd.s32 s2, s17  }
0x8e: {  	[smem:$0x3FC6] =	sst s2  }
0x8f: {  	_ = 	snop  }
0x90: {  	s2 =	sld [smem:$0x3FC9]  }
0x91: {  	s18 =	sld [smem:$0x3FD0];
	(tm) =	ssettm $0x1  }
0x92: {  	s4 =	sld [smem:$0x3FFB];
	_ =	sdelay $0x3  }
0x93: {  	_ =	strace s4  }
0x94: {  	s4 =	sld [smem:$0x3FFC];
	_ =	sdelay $0x3  }
0x95: {  	_ =	strace s4  }
0x96: {  	s4 =	sld [smem:$0x3FFD];
	_ =	sdelay $0x3  }
0x97: {  	_ =	strace s4  }
0x98: {  	_ =	strace $0x8FFFFFFF  }
0x99: {  	s19 =	sld [smem:$0x3FDB];
	_ =	sdelay $0x1  }
0x9a: {  	s5 =	simm.s32 $_scs_section_size  }
0x9b: {  	s6 =	simm.s32 $_size__tile_overlayer_lowered;
	s7 =	simm.s32 $_tile_overlayer_lowered  }
0x9c: {  	s22 =	simm.s32 $0x1BFF;
	s21 =	sshll.u32 s7, $0x1;
	s4 =	sadd.s32 s5, s19  }
0x9d: {  	s8 =	simm.s32 $0x0;
	s20 =	sshll.u32 s6, $0x1;
	s6 =	sadd.s32 s21, s4  }
0x9e: {  	[timem:s8], [sflag:s22] =	dma.local [hbm:s6], s20  }
0x9f: {  	_ =	swait.ge [sflag:s22], s20  }
0xa0: {  	s5 =	ssub.s32 $0x0, s20;
	[sflag:s22] =	ssyncset.done $0x0  }
0xa1: {  	[sflag:s22] =	ssyncadd.s32 s5;
	_ =	sdelay $0x1  }
0xa2: {  	s23 =	simm.s32 $0x1B8B  }
0xa3: {  	_ =	swait.ge [sflag:s23], $0x1  }
0xa4: {  	[sflag:s23] =	ssyncset.done $0x0  }
0xa5: {  	s25 =	simm.s32 $0x1B8E;
	s24 =	sld [smem:$0x3FFE];
	[sflag:s23] =	ssyncadd.s32 $0xFFFFFFFF  }
0xa6: {  	s26 =	simm.s32 $execute0_lowered;
	[smem:$0x3FD2] =	sst s25  }
0xa7: {  	s6 =	sshll.u32 s26, $0x1;
	_ =	strace $0x80000046;
	[dreg:$0x1] =	wrdreg $0xFFFFFFFF  }
0xa8: {  	s28 =	simm.s32 $_size_execute0_lowered;
	s4 =	sadd.s32 s4, s6;
	[dreg:$0x0] =	wrdreg $0x0  }
0xa9: {  	s6 =	sshll.u32 s28, $0x1;
	[dreg:$0x2] =	wrdreg s4  }
0xaa: {  	[dreg:$0x3] =	wrdreg s6  }
0xab: {  	[dreg:$0x4] =	wrdreg $0xC0  }
0xac: {  	_ =	task [dreg:s8], $0x5FFFF  }
0xad: {  	[dreg:$0x1] =	wrdreg $0xFFFFFFFF  }
0xae: {  	[dreg:$0x0] =	wrdreg $0x60  }
0xaf: {  	[dreg:$0x2] =	wrdreg s2  }
0xb0: {  	[dreg:$0x3] =	wrdreg s24  }
0xb1: {  	[dreg:$0x4] =	wrdreg s18  }
0xb2: {  	[dreg:$0x5] =	wrdreg $0x9  }
0xb3: {  	_ =	task.clear_ibuf [dreg:s8], $0x6FFFF;
	_ =	strace $0x90000046  }
0xb4: {  	s29 =	simm.s32 $0x9;
	_ =	strace $0x80000048  }
0xb5: {  	_ =	swait.ge [sflag:s29], $0x1  }
0xb6: {  	[sflag:s29] =	ssyncadd.s32 $0xFFFFFFFF  }
0xb7: {  	_ =	strace $0x90000048  }
0xb8: {  	_ =	sfence  }
0xb9: {  	s30 =	sld [smem:$0x0];
	_ =	sdelay $0x2  }
0xba: {  	s31 =	sshll.u32 s1, $0xD;
	s1 =	sshrl.u32 s1, $0x2  }
0xbb: {  	s3 =	sand.u32 $0x4000, s31;
	s1 =	sadd.s32 s1, s30  }
0xbc: {  	s0 =	sor.u32 s3, s0;
	s1 =	sshll.u32 s1, $0x11  }
0xbd: {  	s0 =	sor.u32 s1, s0  }
0xbe: {  	s0 =	sadd.s32 $0x8F2B, s0  }
0xbf: {  	[sflag:s0] =	ssyncadd.remote.s32 $0x1  }
0xc0: {  	_ =	sfence.sel $0xFFFF  }
0xc1: {  	[dreg:$0x0] =	wrdreg $0xFFFFFFFF;
	(pc) =	sbr.abs _section_cstart, $3  }
0xc2: {  	[dreg:$0x1] =	wrdreg $0xFFFFFFFF  }
0xc3: {  	_ =	task.clear_ibuf [dreg:s8], $0x2FFFF;
	_ =	strace $0x9FFFFFFF  }
0xc4: {  	(tm) =	ssettm $0x7FFFFFFF  }
0xc5: {  	_ =	shalt  }
tec
execute0_lowered:
.L_overlay_start_1:
0x0: {  	(tag) =	ssettag $0x1  }
0x1: {  	s4 =	rddreg [dreg:$0x0];
	s1 =	srdreg.scid  }
0x2: {  	s0 =	stileid.u32;
	s3 =	rddreg [dreg:$0x1]  }
0x3: {  	s8 =	rddreg [dreg:$0x2];
	s2 =	simm.s32 $0x0;
	s13 =	simm.s32 $0x280  }
0x4: {  	s14 =	simm.s32 $0x6400;
	s15 =	simm.s32 $0x10400;
	s16 =	simm.s32 $0x1  }
0x5: {  	s17 =	simm.s32 $0x2;
	s18 =	simm.s32 $0x3;
	s19 =	simm.s32 $0x500  }
0x6: {  	s20 =	simm.s32 $0x4;
	s21 =	simm.s32 $0x6180;
	s5 =	sand.u32 $0x1, s1  }
0x7: {  	s26 =	sshll.u32 s0, $0x1;
	s1 =	rddreg [dreg:$0x3];
	s11 =	smul.u32 $0xC800, s0  }
0x8: {  	s6 =	sor.u32 s5, s26;
	s10 =	ssub.s32 $0x2, s5;
	s5 =	smul.u32 $0x6400, s5  }
0x9: {  	s22 =	simm.s32 $0x0;
	[smem:$0x7FF] =	sst s2;
	s7 =	smul.u32 $0x6400, s6  }
0xa: {  	s3 =	sadd.s32 $0xF42C00, s3;
	s9 =	smul.u32 $0x190000, s6;
	s12 =	sshrl.u32 s10, $0x1  }
0xb: {  	_ =	strace $0x80000047;
	s6 =	smul.u32 $0x32000, s6;
	s10 =	ssub.s32 s10, s12  }
0xc: {  	s29 =	sadd.s32 s5, s11;
	s12 =	simm.s32 $0x5;
	s7 =	sshrl.u32 s7, $0x3  }
0xd: {  	s28 =	sshrl.u32 s9, $0x3;
	s5 =	sadd.s32 s8, s6;
	s9 =	sshll.u32 s29, $0x3  }
0xe: {  	s4 =	sadd.s32 s4, s7;
	s30 =	sadd.s32 s8, s28;
	s6 =	sadd.s32 $0x1400, s5  }
0xf: {  	s31 =	sadd.s32 s8, s9;
	s9 =	smax.u32 s10, $0x1;
	s7 =	sadd.s32 $0x2F800, s30  }
0x10: {  	s8 =	sadd.s32 $0x30C00, s30;
	s10 =	sadd.s32 $0x2800, s31;
	s11 =	sadd.s32 $0x3C00, s31  }
.LBB2_1:
0x11: {  	[tilespmem:s2], [sflag:$0x5] =	stream.linear.gather [hbm4b:s4+s2], $0x6400, $0x38;
	[tilespmem:$0x1A400] =	vst v63  }
0x12: {  	_ =	swait.ge [sflag:s12], $0x6400  }
0x13: {  	[sflag:s12] =	ssyncset.done $0x0  }
0x14: {  	[sflag:s12] =	ssyncadd.s32 $0xFFFF9C00  }
0x15: {  	[tilespmem:s14], [sflag:$0x1] =	stream.indirect.gather [hbm4b:s3+s13], $0x40, s2, s13, $0xb8;
	[tilespmem:$0x1A400] =	vst v63  }
0x16: {  	_ = 	snop  }
0x17: {  	[tilespmem:s15], [sflag:$0x2] =	stream.indirect.gather [hbm4b:s3+s13], $0x40, s13, s13, $0xb8;
	[tilespmem:$0x1A400] =	vst v63  }
0x18: {  	_ =	swait.ge [sflag:s16], $0xA000  }
0x19: {  	[sflag:s16] =	ssyncset.done $0x0  }
0x1a: {  	[sflag:s16] =	ssyncadd.s32 $0xFFFF6000  }
0x1b: {  	[hbm4b:s5+s2] =	stream.linear.scatter [tilespmem:s14], [sflag:$0x3], $0xA000, $0x38;
	[tilespmem:$0x1A400] =	vst v63  }
0x1c: {  	_ =	swait.ge [sflag:s17], $0xA000  }
0x1d: {  	[sflag:s17] =	ssyncset.done $0x0  }
0x1e: {  	[sflag:s17] =	ssyncadd.s32 $0xFFFF6000  }
0x1f: {  	_ =	swait.ge [sflag:s18], $0xA000  }
0x20: {  	[sflag:s18] =	ssyncset.done $0x0  }
0x21: {  	[sflag:s18] =	ssyncadd.s32 $0xFFFF6000  }
0x22: {  	[tilespmem:s14], [sflag:$0x1] =	stream.indirect.gather [hbm4b:s3+s13], $0x40, s19, s13, $0xb8;
	[tilespmem:$0x1A400] =	vst v63  }
0x23: {  	_ = 	snop  }
0x24: {  	[hbm4b:s6+s2] =	stream.linear.scatter [tilespmem:s15], [sflag:$0x4], $0xA000, $0x38;
	[tilespmem:$0x1A400] =	vst v63  }
0x25: {  	_ =	swait.ge [sflag:s16], $0xA000  }
0x26: {  	[sflag:s16] =	ssyncset.done $0x0  }
0x27: {  	[sflag:s16] =	ssyncadd.s32 $0xFFFF6000  }
0x28: {  	_ =	swait.ge [sflag:s20], $0xA000  }
0x29: {  	[sflag:s20] =	ssyncset.done $0x0  }
0x2a: {  	s23 =	simm.s32 $0x780;
	[sflag:s20] =	ssyncadd.s32 $0xFFFF6000  }
0x2b: {  	[tilespmem:s15], [sflag:$0x2] =	stream.indirect.gather [hbm4b:s3+s13], $0x40, s23, s13, $0xb8;
	[tilespmem:$0x1A400] =	vst v63  }
0x2c: {  	s30 =	sadd.s32 $0x0, s10  }
0x2d: {  	[hbm4b:s30+s2] =	stream.linear.scatter [tilespmem:s14], [sflag:$0x3], $0xA000, $0x38;
	[tilespmem:$0x1A400] =	vst v63  }
0x2e: {  	_ =	swait.ge [sflag:s17], $0xA000  }
0x2f: {  	[sflag:s17] =	ssyncset.done $0x0  }
0x30: {  	[sflag:s17] =	ssyncadd.s32 $0xFFFF6000  }
0x31: {  	_ =	swait.ge [sflag:s18], $0xA000  }
0x32: {  	s31 =	simm.s32 $0xA00;
	s25 =	sadd.s32 $0x0, s11;
	[sflag:s18] =	ssyncset.done $0x0  }
0x33: {  	s24 =	simm.s32 $0xF00;
	s23 =	simm.s32 $0x2800;
	[sflag:s18] =	ssyncadd.s32 $0xFFFF6000  }
0x34: {  	[tilespmem:s14], [sflag:$0x1] =	stream.indirect.gather [hbm4b:s3+s13], $0x40, s31, s13, $0xb8;
	[tilespmem:$0x1A400] =	vst v63  }
.LBB2_2:
0x35: {  	[hbm4b:s25+s2] =	stream.linear.scatter [tilespmem:s15], [sflag:$0x4], $0xA000, $0x38;
	[tilespmem:$0x1A400] =	vst v63  }
0x36: {  	s25 =	smov.u32 s23  }
0x37: {  	p0 =	sne.s32 s23, $0x2A800;
	s23 =	sadd.s32 $0x2800, s23;
	_ =	swait.ge [sflag:s16], $0xA000  }
0x38: {  	[sflag:s16] =	ssyncset.done $0x0  }
0x39: {  	[sflag:s16] =	ssyncadd.s32 $0xFFFF6000  }
0x3a: {  	_ =	swait.ge [sflag:s20], $0xA000  }
0x3b: {  	[sflag:s20] =	ssyncset.done $0x0  }
0x3c: {  	s26 =	sadd.s32 $0xFFFFFD80, s24;
	[sflag:s20] =	ssyncadd.s32 $0xFFFF6000  }
0x3d: {  	[tilespmem:s15], [sflag:$0x2] =	stream.indirect.gather [hbm4b:s3+s13], $0x40, s26, s13, $0xb8;
	[tilespmem:$0x1A400] =	vst v63  }
0x3e: {  	s26 =	sadd.s32 s25, s10  }
0x3f: {  	[hbm4b:s26+s2] =	stream.linear.scatter [tilespmem:s14], [sflag:$0x3], $0xA000, $0x38;
	[tilespmem:$0x1A400] =	vst v63  }
0x40: {  	_ =	swait.ge [sflag:s17], $0xA000  }
0x41: {  	[sflag:s17] =	ssyncset.done $0x0  }
0x42: {  	[sflag:s17] =	ssyncadd.s32 $0xFFFF6000  }
.Ltmp0:
0x43: {  	_ =	swait.ge [sflag:s18], $0xA000;
	(pc) =	sbr.rel @p0 .LBB2_2-.Ltmp0, $4  }
0x44: {  	[sflag:s18] =	ssyncset.done $0x0  }
0x45: {  	[sflag:s18] =	ssyncadd.s32 $0xFFFF6000  }
0x46: {  	[tilespmem:s14], [sflag:$0x1] =	stream.indirect.gather [hbm4b:s3+s13], $0x40, s24, s13, $0xb8;
	[tilespmem:$0x1A400] =	vst v63  }
0x47: {  	s25 =	sadd.s32 s25, s11;
	s24 =	sadd.s32 $0x500, s24  }
0x48: {  	[hbm4b:s25+s2] =	stream.linear.scatter [tilespmem:s15], [sflag:$0x4], $0xA000, $0x38;
	[tilespmem:$0x1A400] =	vst v63  }
0x49: {  	_ =	swait.ge [sflag:s16], $0xA000  }
0x4a: {  	[sflag:s16] =	ssyncset.done $0x0  }
0x4b: {  	[sflag:s16] =	ssyncadd.s32 $0xFFFF6000  }
0x4c: {  	_ =	swait.ge [sflag:s20], $0xA000  }
0x4d: {  	[sflag:s20] =	ssyncset.done $0x0  }
0x4e: {  	[sflag:s20] =	ssyncadd.s32 $0xFFFF6000  }
0x4f: {  	[tilespmem:s15], [sflag:$0x2] =	stream.indirect.gather [hbm4b:s3+s13], $0x40, s21, s13, $0xb8;
	[tilespmem:$0x1A400] =	vst v63  }
0x50: {  	_ = 	snop  }
0x51: {  	[hbm4b:s7+s2] =	stream.linear.scatter [tilespmem:s14], [sflag:$0x3], $0xA000, $0x38;
	[tilespmem:$0x1A400] =	vst v63  }
0x52: {  	_ =	swait.ge [sflag:s17], $0xA000  }
0x53: {  	[sflag:s17] =	ssyncset.done $0x0  }
0x54: {  	[sflag:s17] =	ssyncadd.s32 $0xFFFF6000  }
0x55: {  	s22 =	sadd.s32 $0x1, s22;
	_ =	swait.ge [sflag:s18], $0xA000  }
0x56: {  	p0 =	sne.s32 s22, s9;
	[sflag:s18] =	ssyncset.done $0x0  }
.Ltmp1:
0x57: {  	[sflag:s18] =	ssyncadd.s32 $0xFFFF6000;
	(pc) =	sbr.rel @p0 .LBB2_1-.Ltmp1, $4  }
0x58: {  	[hbm4b:s8+s2] =	stream.linear.scatter [tilespmem:s15], [sflag:$0x4], $0xA000, $0x38;
	[tilespmem:$0x1A400] =	vst v63  }
0x59: {  	_ =	swait.ge [sflag:s20], $0xA000  }
0x5a: {  	[sflag:s20] =	ssyncset.done $0x0  }
0x5b: {  	[sflag:s20] =	ssyncadd.s32 $0xFFFF6000  }
0x5c: {  	_ =	sfence.sel $0x180000  }
0x5d: {  	[bflag:$0x0] =	sbarrier.arrive $0xFFFF  }
0x5e: {  	p0 =	sne.s32 s0, $0x0;
	_ =	strace $0x90000047  }
0x5f: {  	s0 =	sadd.s32 @!p0 $0x100000, s1;
	[bflag:$0x2] =	sbarrier.arrive $0xFFFF  }
0x60: {  	[sflag:s0] =	ssyncadd.tile.s32 @!p0 $0x1;
	_ =	shalt  }
.Lfunc_end2:
_tile_overlayer_lowered:
.L_overlay_start_2:
0x61: {  	(tag) =	ssettag $0x2  }
0x62: {  	s0 =	rddreg [dreg:$0x0];
	s2 =	stileid.u32  }
0x63: {  	s1 =	rddreg [dreg:$0x1];
	p0 =	sne.s32 s2, $0x0  }
0x64: {  	s3 =	rddreg [dreg:$0x2];
	[bflag:$0x3] =	sbarrier.arrive $0xFFFF;
	s2 =	simm.s32 @!p0 $0x1C05  }
0x65: {  	[timem:s3], [sflag:s2] =	dma.local @!p0 [hbm:s0], s1  }
0x66: {  	s0 =	simm.s32 @!p0 $0x5  }
0x67: {  	_ =	swait.ge @!p0 [sflag:s0], s1  }
0x68: {  	s1 =	ssub.s32 @!p0 $0x0, s1;
	[sflag:s0] =	ssyncset.done @!p0 $0x0  }
0x69: {  	[sflag:s0] =	ssyncadd.s32 @!p0 s1  }
0x6a: {  	[bflag:$0x3] =	sbarrier.arrive $0xFFFF  }
0x6b: {  	_ =	shalt  }

// kernel: sparse-core-data-format-call.cloned.1.call-start
scs
called_computation_lowered:
.L_overlay_start_0:
0x0: {  	s2 =	sld [smem:$0x3FD9]  }
0x1: {  	s3 =	sld [smem:$0x3FFE];
	_ =	sdelay $0x1  }
0x2: {  	s1 =	srdreg.scid  }
0x3: {  	s0 =	sand.u32 $0x1, s1  }
0x4: {  	s18 =	sshll.u32 s0, $0xA;
	s2 =	sadd.s32 s3, s2  }
0x5: {  	s2 =	sadd.s32 s2, s18  }
0x6: {  	[smem:$0x3FC6] =	sst s2  }
0x7: {  	_ = 	snop  }
0x8: {  	s2 =	sld [smem:$0x3FD0];
	(tm) =	ssettm $0x1  }
0x9: {  	s19 =	sld [smem:$0x3FFB];
	_ =	sdelay $0x3  }
0xa: {  	_ =	strace s19  }
0xb: {  	s3 =	sld [smem:$0x3FFC];
	_ =	sdelay $0x3  }
0xc: {  	_ =	strace s3  }
0xd: {  	s3 =	sld [smem:$0x3FFD];
	_ =	sdelay $0x3  }
0xe: {  	_ =	strace s3  }
0xf: {  	_ =	strace $0x8FFFFFFF  }
0x10: {  	s20 =	sld [smem:$0x3FDB];
	_ =	sdelay $0x1  }
0x11: {  	s4 =	simm.s32 $_scs_section_size  }
0x12: {  	s5 =	simm.s32 $_size__tile_overlayer_lowered;
	s6 =	simm.s32 $_tile_overlayer_lowered  }
0x13: {  	s23 =	simm.s32 $0x1BFF;
	s22 =	sshll.u32 s6, $0x1;
	s3 =	sadd.s32 s4, s20  }
0x14: {  	s7 =	simm.s32 $0x0;
	s21 =	sshll.u32 s5, $0x1;
	s5 =	sadd.s32 s22, s3  }
0x15: {  	[timem:s7], [sflag:s23] =	dma.local [hbm:s5], s21  }
0x16: {  	_ =	swait.ge [sflag:s23], s21  }
0x17: {  	s4 =	ssub.s32 $0x0, s21;
	[sflag:s23] =	ssyncset.done $0x0  }
0x18: {  	[sflag:s23] =	ssyncadd.s32 s4;
	_ =	sdelay $0x1  }
0x19: {  	s24 =	simm.s32 $0x1B8B  }
0x1a: {  	_ =	swait.ge [sflag:s24], $0x1  }
0x1b: {  	[sflag:s24] =	ssyncset.done $0x0  }
0x1c: {  	s26 =	simm.s32 $0x1B8E;
	s25 =	sld [smem:$0x3FFE];
	[sflag:s24] =	ssyncadd.s32 $0xFFFFFFFF  }
0x1d: {  	s27 =	simm.s32 $execute0_lowered;
	[smem:$0x3FD2] =	sst s26  }
0x1e: {  	s5 =	sshll.u32 s27, $0x1;
	_ =	strace $0x80000049;
	[dreg:$0x1] =	wrdreg $0xFFFFFFFF  }
0x1f: {  	s28 =	simm.s32 $_size_execute0_lowered;
	s3 =	sadd.s32 s3, s5;
	[dreg:$0x0] =	wrdreg $0x0  }
0x20: {  	s5 =	sshll.u32 s28, $0x1;
	[dreg:$0x2] =	wrdreg s3  }
0x21: {  	[dreg:$0x3] =	wrdreg s5  }
0x22: {  	[dreg:$0x4] =	wrdreg $0xC0  }
0x23: {  	_ =	task [dreg:s7], $0x5FFFF  }
0x24: {  	[dreg:$0x1] =	wrdreg $0xFFFFFFFF  }
0x25: {  	[dreg:$0x0] =	wrdreg $0x60  }
0x26: {  	[dreg:$0x2] =	wrdreg s25  }
0x27: {  	[dreg:$0x3] =	wrdreg s2  }
0x28: {  	[dreg:$0x4] =	wrdreg $0x9  }
0x29: {  	_ =	task.clear_ibuf [dreg:s7], $0x5FFFF;
	_ =	strace $0x90000049  }
0x2a: {  	s29 =	simm.s32 $0x9;
	_ =	strace $0x8000004B  }
0x2b: {  	_ =	swait.ge [sflag:s29], $0x1  }
0x2c: {  	[sflag:s29] =	ssyncadd.s32 $0xFFFFFFFF  }
0x2d: {  	_ =	strace $0x9000004B  }
0x2e: {  	_ =	sfence  }
0x2f: {  	s30 =	sld [smem:$0x0];
	_ =	sdelay $0x2  }
0x30: {  	s31 =	sshll.u32 s1, $0xD;
	s1 =	sshrl.u32 s1, $0x2  }
0x31: {  	s3 =	sand.u32 $0x4000, s31;
	s1 =	sadd.s32 s1, s30  }
0x32: {  	s0 =	sor.u32 s3, s0;
	s1 =	sshll.u32 s1, $0x11  }
0x33: {  	s0 =	sor.u32 s1, s0  }
0x34: {  	s0 =	sadd.s32 $0x8F2B, s0  }
0x35: {  	[sflag:s0] =	ssyncadd.remote.s32 $0x1  }
0x36: {  	_ =	sfence.sel $0xFFFF  }
0x37: {  	[dreg:$0x0] =	wrdreg $0xFFFFFFFF;
	(pc) =	sbr.abs _section_cstart, $3  }
0x38: {  	[dreg:$0x1] =	wrdreg $0xFFFFFFFF  }
0x39: {  	_ =	task.clear_ibuf [dreg:s7], $0x2FFFF;
	_ =	strace $0x9FFFFFFF  }
0x3a: {  	(tm) =	ssettm $0x7FFFFFFF  }
0x3b: {  	_ =	shalt  }
tec
execute0_lowered:
.L_overlay_start_1:
0x0: {  	(tag) =	ssettag $0x1  }
0x1: {  	s0 =	srdreg.scid  }
0x2: {  	s1 =	sshll.u32 s0, $0x4  }
0x3: {  	s4 =	rddreg [dreg:$0x0];
	s0 =	stileid.u32;
	s1 =	sand.u32 $0x10, s1  }
0x4: {  	s2 =	rddreg [dreg:$0x1];
	s7 =	simm.s32 $0x1;
	s1 =	sor.u32 s0, s1  }
0x5: {  	s8 =	simm.s32 $0x2;
	s11 =	simm.s32 $0x0;
	s3 =	sshll.u32 s1, $0x7  }
0x6: {  	s10 =	simm.s32 $0x0;
	s4 =	sadd.s32 $0x800, s4;
	s6 =	ssub.s32 $0xC8000, s3  }
.Ltmp0:
0x7: {  	s1 =	rddreg [dreg:$0x2];
	s5 =	sand.u32 $0xF80, s6;
	(pc) =	sbr.rel .LBB1_1-.Ltmp0, $4  }
0x8: {  	_ =	strace $0x8000004A;
	s9 =	smov.u32 s3;
	p0 =	sne.s32 s5, $0x0  }
0x9: {  	s6 =	sshrl.u32 s6, $0xC;
	s5 =	simm.s32 $0x1;
	s7 =	simm.s32 @!p0 $0x0  }
0xa: {  	[sflag:s5] =	ssyncpa.u1 $0x0;
	p0 =	por $0x0, $0x0;
	s6 =	sadd.s32 s7, s6  }
0xb: {  	[sflag:s8] =	ssyncpa.u1 $0x0;
	s8 =	simm.s32 $0x640000;
	s7 =	sadd.s32 $0x1, s6  }
.LBB1_4:
0xc: {  	s14 =	sshll.u32 s11, $0x3  }
0xd: {  	s30 =	sand.u32 $0x7F, s11;
	s15 =	sand.u32 $0xFFFFFC00, s14  }
0xe: {  	s11 =	sor.u32 s30, s15  }
0xf: {  	s15 =	smulhi.u32 $0x51EB851F, s11  }
0x10: {  	s14 =	smulhi.u32 $0x51EB851F, s14  }
0x11: {  	s15 =	sshrl.u32 s15, $0x12  }
0x12: {  	s14 =	sshrl.u32 s14, $0x12;
	s15 =	smul.u32 $0xC8000, s15  }
0x13: {  	s14 =	sand.u32 $0x3F, s14  }
0x14: {  	s14 =	smul.u32 $0x19000, s14;
	s11 =	ssub.s32 s11, s15  }
0x15: {  	[tilespmem:s13+$0x810 ss:$0x81] =	vst.msk $0xffff, v2;
	s15 =	sand.u32 $0x7, s11  }
0x16: {  	[tilespmem:s13+$0x1020 ss:$0x81] =	vst.msk $0xffff, v0;
	s14 =	sadd.s32 s2, s14;
	s11 =	sshrl.u32 s11, $0x3;
	s15 =	sshll.u32 s15, $0x12  }
0x17: {  	[tilespmem:s13+$0x0 ss:$0x81] =	vst.msk $0xffff, v1;
	s11 =	sadd.s32 s11, s14;
	s31 =	sor.u32 $0x400, s15  }
0x18: {  	[hbm4b:s11+s31] =	stream.strided.scatter [tilespmem:s12], [sflag:$0x2], $0x2000, s8, s31, $0x20;
	[tilespmem:$0x8080] =	vst v63  }
.LBB1_5:
0x19: {  	s13 =	sadd.s32 $0x1000, s9  }
0x1a: {  	p2 =	sgt.s32 s13, $0xC7FFF  }
0x1b: {  	s13 =	smov.u32 @p2 s3;
	p2 =	sne.s32 s10, s7  }
.Ltmp1:
0x1c: {  	p1 =	slt.u32 s10, $0x2;
	(pc) =	sbr.rel @!p2 .LBB1_6-.Ltmp1, $4  }
0x1d: {  	s12 =	simm.s32 @!p1 $0x2  }
0x1e: {  	s14 =	sadd.s32 $0x1, s10;
	_ =	swait.ge @!p1 [sflag:s12], $0x2000  }
0x1f: {  	s11 =	smov.u32 s9;
	p0 =	por !p0, !p0;
	[sflag:s12] =	ssyncset.done @!p1 $0x0  }
0x20: {  	s10 =	smov.u32 s14;
	s9 =	smov.u32 s13;
	[sflag:s12] =	ssyncadd.s32 @!p1 $0xFFFFE000  }
.LBB1_1:
0x21: {  	p1 =	sge.u32 s10, s6  }
0x22: {  	s12 =	sand.u32 @!p1 $0x1FFFFFF, s9  }
0x23: {  	s13 =	smulhi.u32 @!p1 $0x147AE15, s12;
	_ =	sdelay $0x1  }
0x24: {  	s13 =	sshrl.u32 @!p1 s13, $0xC  }
0x25: {  	s13 =	smul.u32 @!p1 $0xC8000, s13;
	_ =	sdelay $0x1  }
0x26: {  	s31 =	sadd.s32 $0xFFFFFFFF, s10;
	s14 =	sxor.u32 @!p1 $0xFFFFFFFF, s10;
	s12 =	ssub.s32 @!p1 s12, s13  }
0x27: {  	s15 =	simm.s32 @!p1 $0x80;
	s14 =	sshll.u32 @!p1 s14, $0xD;
	s12 =	sshll.u32 @!p1 s12, $0x4  }
0x28: {  	s13 =	sand.u32 @!p1 $0x2000, s14;
	s14 =	simm.s32 @!p1 $0x40;
	s12 =	sadd.s32 @!p1 s4, s12  }
0x29: {  	[tilespmem:s13], [sflag:$0x1] =	stream.strided.gather @!p1 [hbm4b:s12+s14], $0x2000, s15, s14, $0x38;
	[tilespmem:$0x8080] =	vst v63  }
0x2a: {  	p1 =	sge.u32 s31, s6  }
.Ltmp2:
0x2b: {  	_ = 	snop;
	(pc) =	sbr.rel @p1 .LBB1_5-.Ltmp2, $1  }
0x2c: {  	_ =	sdelay $0x3  }
0x2d: {  	s12 =	simm.s32 $0x1  }
0x2e: {  	_ =	swait.ge [sflag:s5], $0x2000;
	s12 =	simm.s32 @!p0 $0x0  }
0x2f: {  	[sflag:s5] =	ssyncset.done $0x0;
	s13 =	sshll.u32 s12, $0xD  }
0x30: {  	[sflag:s5] =	ssyncadd.s32 $0xFFFFE000;
	s16 =	sor.u32 $0x20, s13  }
0x31: {  	s12 =	smul.u32 $0x8100, s12;
	v3 =	vld [tilespmem:s16+$0x10]  }
0x32: {  	s30 =	sand.u32 $0x1, s10;
	v2 =	vld [tilespmem:s16+$0xFFFFFFF0]  }
0x33: {  	s13 =	smul.u32 $0x8100, s30;
	s12 =	sshrl.u32 s12, $0x2;
	v0 =	vld [tilespmem:s16+$0x0]  }
0x34: {  	v1 =	vld [tilespmem:s16+$0xFFFFFFE0];
	s14 =	sor.u32 $0x4000, s12  }
0x35: {  	s31 =	sshrl.u32 s13, $0x2;
	s13 =	sadd.s32 $0x0, s14  }
0x36: {  	s15 =	simm.s32 $0x4;
	s16 =	sadd.s32 $0x40, s16;
	s12 =	sor.u32 $0x4000, s31;
	[tilespmem:s13+$0x1830 ss:$0x81] =	vst.msk $0xffff, v3  }
.LBB1_3:
0x37: {  	v3 =	vld [tilespmem:s16+$0x10];
	p1 =	sne.s32 s15, $0x1FC;
	[tilespmem:s13+$0x810 ss:$0x81] =	vst.msk $0xffff, v2;
	s17 =	smov.u32 s15;
	s15 =	sadd.s32 $0x4, s15  }
.Ltmp3:
0x38: {  	v2 =	vld [tilespmem:s16+$0xFFFFFFF0];
	[tilespmem:s13+$0x1020 ss:$0x81] =	vst.msk $0xffff, v0;
	(pc) =	sbr.rel @p1 .LBB1_3-.Ltmp3, $4  }
0x39: {  	v0 =	vld [tilespmem:s16+$0x0];
	[tilespmem:s13+$0x0 ss:$0x81] =	vst.msk $0xffff, v1  }
0x3a: {  	s13 =	sshra.s32 s17, $0x2;
	v1 =	vld [tilespmem:s16+$0xFFFFFFE0]  }
0x3b: {  	s13 =	sadd.s32 s13, s14  }
0x3c: {  	s16 =	sadd.s32 $0x40, s16;
	[tilespmem:s13+$0x1830 ss:$0x81] =	vst.msk $0xffff, v3  }
.Ltmp4:
0x3d: {  	_ = 	snop;
	(pc) =	sbr.rel .LBB1_4-.Ltmp4, $1  }
0x3e: {  	_ =	sdelay $0x3  }
.LBB1_6:
0x3f: {  	_ =	sfence.sel $0x180000  }
0x40: {  	s2 =	simm.s32 $0x1;
	[bflag:$0x0] =	sbarrier.arrive $0xFFFF  }
0x41: {  	s31 =	simm.s32 $0x2;
	[sflag:s2] =	ssyncpa.u1 $0x1  }
0x42: {  	[sflag:s31] =	ssyncpa.u1 $0x1  }
0x43: {  	p0 =	sne.s32 s0, $0x0;
	_ =	strace $0x9000004A  }
0x44: {  	s0 =	sadd.s32 @!p0 $0x100000, s1;
	[bflag:$0x2] =	sbarrier.arrive $0xFFFF  }
0x45: {  	[sflag:s0] =	ssyncadd.tile.s32 @!p0 $0x1;
	_ =	shalt  }
.Lfunc_end1:
_tile_overlayer_lowered:
.L_overlay_start_2:
0x46: {  	(tag) =	ssettag $0x2  }
0x47: {  	s0 =	rddreg [dreg:$0x0];
	s2 =	stileid.u32  }
0x48: {  	s1 =	rddreg [dreg:$0x1];
	p0 =	sne.s32 s2, $0x0  }
0x49: {  	s3 =	rddreg [dreg:$0x2];
	[bflag:$0x3] =	sbarrier.arrive $0xFFFF;
	s2 =	simm.s32 @!p0 $0x1C01  }
0x4a: {  	[timem:s3], [sflag:s2] =	dma.local @!p0 [hbm:s0], s1  }
0x4b: {  	s0 =	simm.s32 @!p0 $0x1  }
0x4c: {  	_ =	swait.ge @!p0 [sflag:s0], s1  }
0x4d: {  	s1 =	ssub.s32 @!p0 $0x0, s1;
	[sflag:s0] =	ssyncset.done @!p0 $0x0  }
0x4e: {  	[sflag:s0] =	ssyncadd.s32 @!p0 s1  }
0x4f: {  	[bflag:$0x3] =	sbarrier.arrive $0xFFFF  }
0x50: {  	_ =	shalt  }

</sc_bundles>
